<compile_context>
chip_gen: v7x
topology: tpu7x:2x2x1
jax: 0.10.2.dev20260603
libtpu: 0.0.44.dev20260713+nightly
codegen_flags: <defaults>
</compile_context>

<pallas_src>
import jax
import jax.numpy as jnp
from jax import lax
from jax.experimental import pallas as pl
from jax.experimental.pallas import tpu as pltpu
from jax.experimental.pallas import tpu_sc as plsc

B = 16384
N_CAT = 26
VOCAB = 1000
EMB = 77
N_COLS = 41
NC = 2
NS = 16
NW = NC * NS
CATW = N_CAT * B // NW
NUMW = (N_COLS - N_CAT) * B // NW
NUM_BASE = N_CAT * B
CTAB = N_CAT * VOCAB
CTMAX = CTAB - 1
CT_PER = 1664
CT_VEC = CT_PER // 16
UNROLL = 4


def _body(inp_hbm, tbl_hbm, out_hbm, inp_cat_v, idx_v, gout_v,
          inp_num_v, out_num_v, ctidx_v, ctg_v, ctab_s, sem, sem2, sem3):
    sid = lax.axis_index("s")
    wid = sid * NC + lax.axis_index("c")
    cbase = wid * CATW
    nbase = NUM_BASE + wid * NUMW
    iota = lax.iota(jnp.int32, 16)

    a_cat = pltpu.async_copy(inp_hbm.at[pl.ds(cbase, CATW)], inp_cat_v, sem2)
    a_num = pltpu.async_copy(inp_hbm.at[pl.ds(nbase, NUMW)], inp_num_v, sem3)

    def ct_idx(j, carry):
        e = jnp.minimum(sid * CT_PER + j * 16 + iota, CTMAX)
        ctidx_v[pl.ds(j * 16, 16)] = e * EMB
        return carry
    lax.fori_loop(0, CT_VEC, ct_idx, None)
    a_ctab = pltpu.async_copy(tbl_hbm.at[ctidx_v], ctg_v, sem)

    a_cat.wait()

    def idx_body(k, carry):
        for u in range(UNROLL):
            off = k * (16 * UNROLL) + u * 16
            colv = ((cbase + off) >> 14) * VOCAB
            idx_v[pl.ds(off, 16)] = inp_cat_v[pl.ds(off, 16)] + colv
        return carry
    lax.fori_loop(0, CATW // (16 * UNROLL), idx_body, None)

    a_ctab.wait()
    pltpu.sync_copy(ctg_v, ctab_s.at[pl.ds(sid * CT_PER, CT_PER)])
    plsc.subcore_barrier()

    a_g = pltpu.async_copy(ctab_s.at[idx_v], gout_v, sem)

    def cast_body(k, carry):
        for u in range(UNROLL):
            off = k * (16 * UNROLL) + u * 16
            out_num_v[pl.ds(off, 16)] = (
                inp_num_v[pl.ds(off, 16)].astype(jnp.float32))
        return carry
    a_num.wait()
    lax.fori_loop(0, NUMW // (16 * UNROLL), cast_body, None)

    a_g.wait()
    pltpu.sync_copy(gout_v, out_hbm.at[pl.ds(cbase, CATW)])
    pltpu.sync_copy(out_num_v, out_hbm.at[pl.ds(nbase, NUMW)])


def kernel(inputs, tables):
    mesh = plsc.VectorSubcoreMesh(core_axis_name="c", subcore_axis_name="s")
    k = pl.kernel(
        _body,
        mesh=mesh,
        out_type=jax.ShapeDtypeStruct((N_COLS * B,), jnp.float32),
        scratch_types=[
            pltpu.VMEM((CATW,), jnp.int32),
            pltpu.VMEM((CATW,), jnp.int32),
            pltpu.VMEM((CATW,), jnp.float32),
            pltpu.VMEM((NUMW,), jnp.int32),
            pltpu.VMEM((NUMW,), jnp.float32),
            pltpu.VMEM((CT_PER,), jnp.int32),
            pltpu.VMEM((CT_PER,), jnp.float32),
            pltpu.VMEM_SHARED((NS * CT_PER,), jnp.float32),
            pltpu.SemaphoreType.DMA,
            pltpu.SemaphoreType.DMA,
            pltpu.SemaphoreType.DMA,
        ],
    )
    out_t = k(inputs.T.reshape(-1), tables.reshape(-1))
    return out_t.reshape(N_COLS, B).T

# --- scband reference (transcript-rebuilt; emitter-appended) ---
"""Pipeline reference for scband-preprocessing-layer-4758823764440 (READ-ONLY COPY).

The authoritative reference and input builder live on the scoring server;
editing this copy changes nothing except your own understanding.
"""

import jax, jax.numpy as jnp
import numpy as np

B = 16384
N_CAT = 26
VOCAB = 1000
EMB = int(round(1.6 * VOCAB ** 0.56))  # 77, same formula as the module
N_BIN = 2
N_NUM = 13
N_COLS = N_CAT + N_BIN + N_NUM  # 41


def setup_inputs(seed: int = 0) -> dict:
    key = jax.random.key(seed)
    k1, k2 = jax.random.split(key)
    inputs = jax.random.randint(k1, (B, N_COLS), 0, VOCAB, dtype=jnp.int32)
    # learned embedding tables, one per sparse categorical field, stacked
    tables = jax.random.normal(k2, (N_CAT, VOCAB, EMB), dtype=jnp.float32)
    return {"inputs": inputs, "tables": tables}


def reference(inputs, tables):
    feats = []
    # sparse categorical fields -> embedding lookup; original code then gathers
    # index 0 along the last (embedding) axis, yielding a [B, 1] slice per field
    for i in range(N_CAT):
        idx = inputs[:, i]
        emb = jnp.take(tables[i], idx, axis=0)  # [B, EMB] gather
        feats.append(emb[:, 0:1])               # tf.gather(..., 0, axis=-1) -> [B, 1]
    # binary categorical fields (n_categories < threshold) -> cast to float
    for j in range(N_BIN):
        feats.append(inputs[:, N_CAT + j:N_CAT + j + 1].astype(jnp.float32))
    # numeric columns, cast to float and appended last
    feats.append(inputs[:, N_CAT + N_BIN:].astype(jnp.float32))
    return jnp.concatenate(feats, axis=1)

if __name__ == "__main__":
    import jax
    _d = setup_inputs()
    print(jax.jit(kernel)(*tuple(_d.values())))

</pallas_src>

<mosaic_0001>
#map = affine_map<(d0, d1) -> (0)>
module attributes {stable_mosaic.version = 14 : i64} {
  func.func @_body(%arg0: i32, %arg1: i32, %arg2: memref<671744xi32, #tpu.memory_space<hbm>>, %arg3: memref<2002000xf32, #tpu.memory_space<hbm>>, %arg4: memref<671744xf32, #tpu.memory_space<hbm>>, %arg5: memref<13312xi32, #tpu.memory_space<vmem>>, %arg6: memref<13312xi32, #tpu.memory_space<vmem>>, %arg7: memref<13312xf32, #tpu.memory_space<vmem>>, %arg8: memref<7680xi32, #tpu.memory_space<vmem>>, %arg9: memref<7680xf32, #tpu.memory_space<vmem>>, %arg10: memref<1664xi32, #tpu.memory_space<vmem>>, %arg11: memref<1664xf32, #tpu.memory_space<vmem>>, %arg12: memref<26624xf32, #tpu.memory_space<vmem_shared>>, %arg13: memref<!tpu.dma_semaphore, #tpu.memory_space<semaphore_mem>>, %arg14: memref<!tpu.dma_semaphore, #tpu.memory_space<semaphore_mem>>, %arg15: memref<!tpu.dma_semaphore, #tpu.memory_space<semaphore_mem>>) attributes {dimension_semantics = [#tpu.dimension_semantics<core_parallel>, #tpu.dimension_semantics<subcore_parallel>], iteration_bounds = array<i64: 2, 16>, scalar_prefetch = 0 : i64, scratch_operands = 11 : i64, tpu.core_type = #tpu.core_type<sc_vector_subcore>, window_params = [{transform_indices = #map}, {transform_indices = #map}, {transform_indices = #map}]} {
    %mul3A = arith.constant 2 : i32
    %mul3A_0 = arith.muli %arg1, %mul3A : i32
    %add3A = arith.addi %mul3A_0, %arg0 : i32
    %mul3A_1 = arith.constant 13312 : i32
    %mul3A_2 = arith.muli %add3A, %mul3A_1 : i32
    %mul3A_3 = arith.constant 7680 : i32
    %mul3A_4 = arith.muli %add3A, %mul3A_3 : i32
    %add3A_5 = arith.constant 425984 : i32
    %add3A_6 = arith.addi %add3A_5, %mul3A_4 : i32
    %iota3A = tpu.iota {dimensions = array<i32: 0>} : vector<16xi32>
    %dma_start3A = tpu.memref_slice %arg2[%mul3A_2] : memref<671744xi32, #tpu.memory_space<hbm>> -> memref<13312xi32, #tpu.memory_space<hbm>>
    %dma_start3A_7 = tpu.memref_slice %arg2[%mul3A_2] : memref<671744xi32, #tpu.memory_space<hbm>> -> memref<13312xi32, #tpu.memory_space<hbm>>
    tpu.enqueue_dma source(%dma_start3A_7 : memref<13312xi32, #tpu.memory_space<hbm>>) target(%arg5 : memref<13312xi32, #tpu.memory_space<vmem>>) target_semaphore(%arg14 : memref<!tpu.dma_semaphore, #tpu.memory_space<semaphore_mem>>)
    %dma_start3A_8 = tpu.memref_slice %arg2[%add3A_6] : memref<671744xi32, #tpu.memory_space<hbm>> -> memref<7680xi32, #tpu.memory_space<hbm>>
    %dma_start3A_9 = tpu.memref_slice %arg2[%add3A_6] : memref<671744xi32, #tpu.memory_space<hbm>> -> memref<7680xi32, #tpu.memory_space<hbm>>
    tpu.enqueue_dma source(%dma_start3A_9 : memref<7680xi32, #tpu.memory_space<hbm>>) target(%arg8 : memref<7680xi32, #tpu.memory_space<vmem>>) target_semaphore(%arg15 : memref<!tpu.dma_semaphore, #tpu.memory_space<semaphore_mem>>)
    %scan3A = arith.constant 0 : i32
    %scan3A_10 = arith.constant 104 : i32
    %scan3A_11 = arith.addi %scan3A, %scan3A_10 : i32
    %scan3A_12 = arith.constant 1 : i32
    scf.for %scan3A_37 = %scan3A to %scan3A_11 step %scan3A_12  : i32 {
      %mul3A_38 = arith.constant 1664 : i32
      %mul3A_39 = arith.muli %arg1, %mul3A_38 : i32
      %mul3A_40 = arith.constant 16 : i32
      %mul3A_41 = arith.muli %scan3A_37, %mul3A_40 : i32
      %add3A_42 = arith.addi %mul3A_39, %mul3A_41 : i32
      %add3A_43 = vector.broadcast %add3A_42 : i32 to vector<16xi32>
      %add3A_44 = arith.addi %add3A_43, %iota3A : vector<16xi32>
      %min3A = arith.constant 25999 : i32
      %min3A_45 = vector.broadcast %min3A : i32 to vector<16xi32>
      %min3A_46 = arith.minsi %add3A_44, %min3A_45 : vector<16xi32>
      %mul3A_47 = arith.constant 77 : i32
      %mul3A_48 = vector.broadcast %mul3A_47 : i32 to vector<16xi32>
      %mul3A_49 = arith.muli %min3A_46, %mul3A_48 : vector<16xi32>
      %mul3A_50 = arith.constant 16 : i32
      %mul3A_51 = arith.muli %scan3A_37, %mul3A_50 : i32
      %swap3A = arith.index_cast %mul3A_51 : i32 to index
      %swap3A_52 = tpu.vector_load %arg10[%swap3A] {strides = array<i32>} : memref<1664xi32, #tpu.memory_space<vmem>>, vector<16xi32>,
      %swap3A_53 = vector.shape_cast %swap3A_52 : vector<16xi32> to vector<16xi32>
      %swap3A_54 = vector.shape_cast %mul3A_49 : vector<16xi32> to vector<16xi32>
      tpu.vector_store %arg10[%swap3A], %swap3A_54 {strides = array<i32>} : memref<1664xi32, #tpu.memory_space<vmem>>, vector<16xi32>,
    }
    %scan3A_13 = arith.constant 104 : i32
    %dma_start3A_14 = arith.constant 0 : i32
    %dma_start3A_15 = tpu.memref_slice %arg3[%dma_start3A_14] : memref<2002000xf32, #tpu.memory_space<hbm>> -> memref<2002000xf32, #tpu.memory_space<hbm>>
    tpu.enqueue_indirect_dma source(%dma_start3A_15 : memref<2002000xf32, #tpu.memory_space<hbm>>) target(%arg11 : memref<1664xf32, #tpu.memory_space<vmem>>) offsets(%arg10 : memref<1664xi32, #tpu.memory_space<vmem>>) semaphore(%arg13 : memref<!tpu.dma_semaphore, #tpu.memory_space<semaphore_mem>>)
    %dma_wait3A = tpu.memref_slice %arg2[%mul3A_2] : memref<671744xi32, #tpu.memory_space<hbm>> -> memref<13312xi32, #tpu.memory_space<hbm>>
    %dma_wait3A_16 = tpu.memref_slice %arg2[%mul3A_2] : memref<671744xi32, #tpu.memory_space<hbm>> -> memref<13312xi32, #tpu.memory_space<hbm>>
    tpu.wait_dma2 semaphore(%arg14 : memref<!tpu.dma_semaphore, #tpu.memory_space<semaphore_mem>>) src(%dma_wait3A_16 : memref<13312xi32, #tpu.memory_space<hbm>>) dst(%arg5 : memref<13312xi32, #tpu.memory_space<vmem>>)
    %scan3A_17 = arith.constant 0 : i32
    %scan3A_18 = arith.constant 208 : i32
    %scan3A_19 = arith.addi %scan3A_17, %scan3A_18 : i32
    %scan3A_20 = arith.constant 1 : i32
    scf.for %scan3A_37 = %scan3A_17 to %scan3A_19 step %scan3A_20  : i32 {
      %mul3A_38 = arith.constant 64 : i32
      %mul3A_39 = arith.muli %scan3A_37, %mul3A_38 : i32
      %add3A_40 = arith.constant 0 : i32
      %add3A_41 = arith.addi %mul3A_39, %add3A_40 : i32
      %add3A_42 = arith.addi %mul3A_2, %add3A_41 : i32
      %shift_right_arithmetic3A = arith.constant 14 : i32
      %shift_right_arithmetic3A_43 = arith.shrsi %add3A_42, %shift_right_arithmetic3A : i32
      %mul3A_44 = arith.constant 1000 : i32
      %mul3A_45 = arith.muli %shift_right_arithmetic3A_43, %mul3A_44 : i32
      %get3A = arith.index_cast %add3A_41 : i32 to index
      %get3A_46 = tpu.vector_load %arg5[%get3A] {strides = array<i32>} : memref<13312xi32, #tpu.memory_space<vmem>>, vector<16xi32>,
      %get3A_47 = vector.shape_cast %get3A_46 : vector<16xi32> to vector<16xi32>
      %add3A_48 = vector.broadcast %mul3A_45 : i32 to vector<16xi32>
      %add3A_49 = arith.addi %get3A_47, %add3A_48 : vector<16xi32>
      %swap3A = arith.index_cast %add3A_41 : i32 to index
      %swap3A_50 = tpu.vector_load %arg6[%swap3A] {strides = array<i32>} : memref<13312xi32, #tpu.memory_space<vmem>>, vector<16xi32>,
      %swap3A_51 = vector.shape_cast %swap3A_50 : vector<16xi32> to vector<16xi32>
      %swap3A_52 = vector.shape_cast %add3A_49 : vector<16xi32> to vector<16xi32>
      tpu.vector_store %arg6[%swap3A], %swap3A_52 {strides = array<i32>} : memref<13312xi32, #tpu.memory_space<vmem>>, vector<16xi32>,
      %mul3A_53 = arith.constant 64 : i32
      %mul3A_54 = arith.muli %scan3A_37, %mul3A_53 : i32
      %add3A_55 = arith.constant 16 : i32
      %add3A_56 = arith.addi %mul3A_54, %add3A_55 : i32
      %add3A_57 = arith.addi %mul3A_2, %add3A_56 : i32
      %shift_right_arithmetic3A_58 = arith.constant 14 : i32
      %shift_right_arithmetic3A_59 = arith.shrsi %add3A_57, %shift_right_arithmetic3A_58 : i32
      %mul3A_60 = arith.constant 1000 : i32
      %mul3A_61 = arith.muli %shift_right_arithmetic3A_59, %mul3A_60 : i32
      %get3A_62 = arith.index_cast %add3A_56 : i32 to index
      %get3A_63 = tpu.vector_load %arg5[%get3A_62] {strides = array<i32>} : memref<13312xi32, #tpu.memory_space<vmem>>, vector<16xi32>,
      %get3A_64 = vector.shape_cast %get3A_63 : vector<16xi32> to vector<16xi32>
      %add3A_65 = vector.broadcast %mul3A_61 : i32 to vector<16xi32>
      %add3A_66 = arith.addi %get3A_64, %add3A_65 : vector<16xi32>
      %swap3A_67 = arith.index_cast %add3A_56 : i32 to index
      %swap3A_68 = tpu.vector_load %arg6[%swap3A_67] {strides = array<i32>} : memref<13312xi32, #tpu.memory_space<vmem>>, vector<16xi32>,
      %swap3A_69 = vector.shape_cast %swap3A_68 : vector<16xi32> to vector<16xi32>
      %swap3A_70 = vector.shape_cast %add3A_66 : vector<16xi32> to vector<16xi32>
      tpu.vector_store %arg6[%swap3A_67], %swap3A_70 {strides = array<i32>} : memref<13312xi32, #tpu.memory_space<vmem>>, vector<16xi32>,
      %mul3A_71 = arith.constant 64 : i32
      %mul3A_72 = arith.muli %scan3A_37, %mul3A_71 : i32
      %add3A_73 = arith.constant 32 : i32
      %add3A_74 = arith.addi %mul3A_72, %add3A_73 : i32
      %add3A_75 = arith.addi %mul3A_2, %add3A_74 : i32
      %shift_right_arithmetic3A_76 = arith.constant 14 : i32
      %shift_right_arithmetic3A_77 = arith.shrsi %add3A_75, %shift_right_arithmetic3A_76 : i32
      %mul3A_78 = arith.constant 1000 : i32
      %mul3A_79 = arith.muli %shift_right_arithmetic3A_77, %mul3A_78 : i32
      %get3A_80 = arith.index_cast %add3A_74 : i32 to index
      %get3A_81 = tpu.vector_load %arg5[%get3A_80] {strides = array<i32>} : memref<13312xi32, #tpu.memory_space<vmem>>, vector<16xi32>,
      %get3A_82 = vector.shape_cast %get3A_81 : vector<16xi32> to vector<16xi32>
      %add3A_83 = vector.broadcast %mul3A_79 : i32 to vector<16xi32>
      %add3A_84 = arith.addi %get3A_82, %add3A_83 : vector<16xi32>
      %swap3A_85 = arith.index_cast %add3A_74 : i32 to index
      %swap3A_86 = tpu.vector_load %arg6[%swap3A_85] {strides = array<i32>} : memref<13312xi32, #tpu.memory_space<vmem>>, vector<16xi32>,
      %swap3A_87 = vector.shape_cast %swap3A_86 : vector<16xi32> to vector<16xi32>
      %swap3A_88 = vector.shape_cast %add3A_84 : vector<16xi32> to vector<16xi32>
      tpu.vector_store %arg6[%swap3A_85], %swap3A_88 {strides = array<i32>} : memref<13312xi32, #tpu.memory_space<vmem>>, vector<16xi32>,
      %mul3A_89 = arith.constant 64 : i32
      %mul3A_90 = arith.muli %scan3A_37, %mul3A_89 : i32
      %add3A_91 = arith.constant 48 : i32
      %add3A_92 = arith.addi %mul3A_90, %add3A_91 : i32
      %add3A_93 = arith.addi %mul3A_2, %add3A_92 : i32
      %shift_right_arithmetic3A_94 = arith.constant 14 : i32
      %shift_right_arithmetic3A_95 = arith.shrsi %add3A_93, %shift_right_arithmetic3A_94 : i32
      %mul3A_96 = arith.constant 1000 : i32
      %mul3A_97 = arith.muli %shift_right_arithmetic3A_95, %mul3A_96 : i32
      %get3A_98 = arith.index_cast %add3A_92 : i32 to index
      %get3A_99 = tpu.vector_load %arg5[%get3A_98] {strides = array<i32>} : memref<13312xi32, #tpu.memory_space<vmem>>, vector<16xi32>,
      %get3A_100 = vector.shape_cast %get3A_99 : vector<16xi32> to vector<16xi32>
      %add3A_101 = vector.broadcast %mul3A_97 : i32 to vector<16xi32>
      %add3A_102 = arith.addi %get3A_100, %add3A_101 : vector<16xi32>
      %swap3A_103 = arith.index_cast %add3A_92 : i32 to index
      %swap3A_104 = tpu.vector_load %arg6[%swap3A_103] {strides = array<i32>} : memref<13312xi32, #tpu.memory_space<vmem>>, vector<16xi32>,
      %swap3A_105 = vector.shape_cast %swap3A_104 : vector<16xi32> to vector<16xi32>
      %swap3A_106 = vector.shape_cast %add3A_102 : vector<16xi32> to vector<16xi32>
      tpu.vector_store %arg6[%swap3A_103], %swap3A_106 {strides = array<i32>} : memref<13312xi32, #tpu.memory_space<vmem>>, vector<16xi32>,
    }
    %scan3A_21 = arith.constant 208 : i32
    %dma_wait3A_22 = arith.constant 0 : i32
    %dma_wait3A_23 = tpu.memref_slice %arg3[%dma_wait3A_22] : memref<2002000xf32, #tpu.memory_space<hbm>> -> memref<2002000xf32, #tpu.memory_space<hbm>>
    tpu.wait_indirect_dma semaphore(%arg13 : memref<!tpu.dma_semaphore, #tpu.memory_space<semaphore_mem>>) src(%dma_wait3A_23 : memref<2002000xf32, #tpu.memory_space<hbm>>) dst(%arg11 : memref<1664xf32, #tpu.memory_space<vmem>>)
    %mul3A_24 = arith.constant 1664 : i32
    %mul3A_25 = arith.muli %arg1, %mul3A_24 : i32
    "tpu.region"() ({
      %run_scoped3A = tpu.sem_alloc : memref<!tpu.dma_semaphore, #tpu.memory_space<semaphore_mem>>
      %dma_start3A_37 = tpu.memref_slice %arg12[%mul3A_25] : memref<26624xf32, #tpu.memory_space<vmem_shared>> -> memref<1664xf32, #tpu.memory_space<vmem_shared>>
      %dma_start3A_38 = tpu.memref_slice %arg12[%mul3A_25] : memref<26624xf32, #tpu.memory_space<vmem_shared>> -> memref<1664xf32, #tpu.memory_space<vmem_shared>>
      tpu.enqueue_dma source(%arg11 : memref<1664xf32, #tpu.memory_space<vmem>>) target(%dma_start3A_38 : memref<1664xf32, #tpu.memory_space<vmem_shared>>) target_semaphore(%run_scoped3A : memref<!tpu.dma_semaphore, #tpu.memory_space<semaphore_mem>>)
      %dma_wait3A_39 = tpu.memref_slice %arg12[%mul3A_25] : memref<26624xf32, #tpu.memory_space<vmem_shared>> -> memref<1664xf32, #tpu.memory_space<vmem_shared>>
      %dma_wait3A_40 = tpu.memref_slice %arg12[%mul3A_25] : memref<26624xf32, #tpu.memory_space<vmem_shared>> -> memref<1664xf32, #tpu.memory_space<vmem_shared>>
      tpu.wait_dma2 semaphore(%run_scoped3A : memref<!tpu.dma_semaphore, #tpu.memory_space<semaphore_mem>>) src(%arg11 : memref<1664xf32, #tpu.memory_space<vmem>>) dst(%dma_wait3A_40 : memref<1664xf32, #tpu.memory_space<vmem_shared>>)
      tpu.yield
    }) : () -> ()
    %barrier3A = arith.constant 0 : index
    tpu.barrier barrier_id(%barrier3A)
    %dma_start3A_26 = arith.constant 0 : i32
    %dma_start3A_27 = tpu.memref_slice %arg12[%dma_start3A_26] : memref<26624xf32, #tpu.memory_space<vmem_shared>> -> memref<26624xf32, #tpu.memory_space<vmem_shared>>
    tpu.enqueue_indirect_dma source(%dma_start3A_27 : memref<26624xf32, #tpu.memory_space<vmem_shared>>) target(%arg7 : memref<13312xf32, #tpu.memory_space<vmem>>) offsets(%arg6 : memref<13312xi32, #tpu.memory_space<vmem>>) semaphore(%arg13 : memref<!tpu.dma_semaphore, #tpu.memory_space<semaphore_mem>>)
    %dma_wait3A_28 = tpu.memref_slice %arg2[%add3A_6] : memref<671744xi32, #tpu.memory_space<hbm>> -> memref<7680xi32, #tpu.memory_space<hbm>>
    %dma_wait3A_29 = tpu.memref_slice %arg2[%add3A_6] : memref<671744xi32, #tpu.memory_space<hbm>> -> memref<7680xi32, #tpu.memory_space<hbm>>
    tpu.wait_dma2 semaphore(%arg15 : memref<!tpu.dma_semaphore, #tpu.memory_space<semaphore_mem>>) src(%dma_wait3A_29 : memref<7680xi32, #tpu.memory_space<hbm>>) dst(%arg8 : memref<7680xi32, #tpu.memory_space<vmem>>)
    %scan3A_30 = arith.constant 0 : i32
    %scan3A_31 = arith.constant 120 : i32
    %scan3A_32 = arith.addi %scan3A_30, %scan3A_31 : i32
    %scan3A_33 = arith.constant 1 : i32
    scf.for %scan3A_37 = %scan3A_30 to %scan3A_32 step %scan3A_33  : i32 {
      %mul3A_38 = arith.constant 64 : i32
      %mul3A_39 = arith.muli %scan3A_37, %mul3A_38 : i32
      %add3A_40 = arith.constant 0 : i32
      %add3A_41 = arith.addi %mul3A_39, %add3A_40 : i32
      %get3A = arith.index_cast %add3A_41 : i32 to index
      %get3A_42 = tpu.vector_load %arg8[%get3A] {strides = array<i32>} : memref<7680xi32, #tpu.memory_space<vmem>>, vector<16xi32>,
      %get3A_43 = vector.shape_cast %get3A_42 : vector<16xi32> to vector<16xi32>
      %convert_element_type3A = arith.sitofp %get3A_43 : vector<16xi32> to vector<16xf32>
      %swap3A = arith.index_cast %add3A_41 : i32 to index
      %swap3A_44 = tpu.vector_load %arg9[%swap3A] {strides = array<i32>} : memref<7680xf32, #tpu.memory_space<vmem>>, vector<16xf32>,
      %swap3A_45 = vector.shape_cast %swap3A_44 : vector<16xf32> to vector<16xf32>
      %swap3A_46 = vector.shape_cast %convert_element_type3A : vector<16xf32> to vector<16xf32>
      tpu.vector_store %arg9[%swap3A], %swap3A_46 {strides = array<i32>} : memref<7680xf32, #tpu.memory_space<vmem>>, vector<16xf32>,
      %mul3A_47 = arith.constant 64 : i32
      %mul3A_48 = arith.muli %scan3A_37, %mul3A_47 : i32
      %add3A_49 = arith.constant 16 : i32
      %add3A_50 = arith.addi %mul3A_48, %add3A_49 : i32
      %get3A_51 = arith.index_cast %add3A_50 : i32 to index
      %get3A_52 = tpu.vector_load %arg8[%get3A_51] {strides = array<i32>} : memref<7680xi32, #tpu.memory_space<vmem>>, vector<16xi32>,
      %get3A_53 = vector.shape_cast %get3A_52 : vector<16xi32> to vector<16xi32>
      %convert_element_type3A_54 = arith.sitofp %get3A_53 : vector<16xi32> to vector<16xf32>
      %swap3A_55 = arith.index_cast %add3A_50 : i32 to index
      %swap3A_56 = tpu.vector_load %arg9[%swap3A_55] {strides = array<i32>} : memref<7680xf32, #tpu.memory_space<vmem>>, vector<16xf32>,
      %swap3A_57 = vector.shape_cast %swap3A_56 : vector<16xf32> to vector<16xf32>
      %swap3A_58 = vector.shape_cast %convert_element_type3A_54 : vector<16xf32> to vector<16xf32>
      tpu.vector_store %arg9[%swap3A_55], %swap3A_58 {strides = array<i32>} : memref<7680xf32, #tpu.memory_space<vmem>>, vector<16xf32>,
      %mul3A_59 = arith.constant 64 : i32
      %mul3A_60 = arith.muli %scan3A_37, %mul3A_59 : i32
      %add3A_61 = arith.constant 32 : i32
      %add3A_62 = arith.addi %mul3A_60, %add3A_61 : i32
      %get3A_63 = arith.index_cast %add3A_62 : i32 to index
      %get3A_64 = tpu.vector_load %arg8[%get3A_63] {strides = array<i32>} : memref<7680xi32, #tpu.memory_space<vmem>>, vector<16xi32>,
      %get3A_65 = vector.shape_cast %get3A_64 : vector<16xi32> to vector<16xi32>
      %convert_element_type3A_66 = arith.sitofp %get3A_65 : vector<16xi32> to vector<16xf32>
      %swap3A_67 = arith.index_cast %add3A_62 : i32 to index
      %swap3A_68 = tpu.vector_load %arg9[%swap3A_67] {strides = array<i32>} : memref<7680xf32, #tpu.memory_space<vmem>>, vector<16xf32>,
      %swap3A_69 = vector.shape_cast %swap3A_68 : vector<16xf32> to vector<16xf32>
      %swap3A_70 = vector.shape_cast %convert_element_type3A_66 : vector<16xf32> to vector<16xf32>
      tpu.vector_store %arg9[%swap3A_67], %swap3A_70 {strides = array<i32>} : memref<7680xf32, #tpu.memory_space<vmem>>, vector<16xf32>,
      %mul3A_71 = arith.constant 64 : i32
      %mul3A_72 = arith.muli %scan3A_37, %mul3A_71 : i32
      %add3A_73 = arith.constant 48 : i32
      %add3A_74 = arith.addi %mul3A_72, %add3A_73 : i32
      %get3A_75 = arith.index_cast %add3A_74 : i32 to index
      %get3A_76 = tpu.vector_load %arg8[%get3A_75] {strides = array<i32>} : memref<7680xi32, #tpu.memory_space<vmem>>, vector<16xi32>,
      %get3A_77 = vector.shape_cast %get3A_76 : vector<16xi32> to vector<16xi32>
      %convert_element_type3A_78 = arith.sitofp %get3A_77 : vector<16xi32> to vector<16xf32>
      %swap3A_79 = arith.index_cast %add3A_74 : i32 to index
      %swap3A_80 = tpu.vector_load %arg9[%swap3A_79] {strides = array<i32>} : memref<7680xf32, #tpu.memory_space<vmem>>, vector<16xf32>,
      %swap3A_81 = vector.shape_cast %swap3A_80 : vector<16xf32> to vector<16xf32>
      %swap3A_82 = vector.shape_cast %convert_element_type3A_78 : vector<16xf32> to vector<16xf32>
      tpu.vector_store %arg9[%swap3A_79], %swap3A_82 {strides = array<i32>} : memref<7680xf32, #tpu.memory_space<vmem>>, vector<16xf32>,
    }
    %scan3A_34 = arith.constant 120 : i32
    %dma_wait3A_35 = arith.constant 0 : i32
    %dma_wait3A_36 = tpu.memref_slice %arg12[%dma_wait3A_35] : memref<26624xf32, #tpu.memory_space<vmem_shared>> -> memref<26624xf32, #tpu.memory_space<vmem_shared>>
    tpu.wait_indirect_dma semaphore(%arg13 : memref<!tpu.dma_semaphore, #tpu.memory_space<semaphore_mem>>) src(%dma_wait3A_36 : memref<26624xf32, #tpu.memory_space<vmem_shared>>) dst(%arg7 : memref<13312xf32, #tpu.memory_space<vmem>>)
    "tpu.region"() ({
      %run_scoped3A = tpu.sem_alloc : memref<!tpu.dma_semaphore, #tpu.memory_space<semaphore_mem>>
      %dma_start3A_37 = tpu.memref_slice %arg4[%mul3A_2] : memref<671744xf32, #tpu.memory_space<hbm>> -> memref<13312xf32, #tpu.memory_space<hbm>>
      %dma_start3A_38 = tpu.memref_slice %arg4[%mul3A_2] : memref<671744xf32, #tpu.memory_space<hbm>> -> memref<13312xf32, #tpu.memory_space<hbm>>
      tpu.enqueue_dma source(%arg7 : memref<13312xf32, #tpu.memory_space<vmem>>) target(%dma_start3A_38 : memref<13312xf32, #tpu.memory_space<hbm>>) target_semaphore(%run_scoped3A : memref<!tpu.dma_semaphore, #tpu.memory_space<semaphore_mem>>)
      %dma_wait3A_39 = tpu.memref_slice %arg4[%mul3A_2] : memref<671744xf32, #tpu.memory_space<hbm>> -> memref<13312xf32, #tpu.memory_space<hbm>>
      %dma_wait3A_40 = tpu.memref_slice %arg4[%mul3A_2] : memref<671744xf32, #tpu.memory_space<hbm>> -> memref<13312xf32, #tpu.memory_space<hbm>>
      tpu.wait_dma2 semaphore(%run_scoped3A : memref<!tpu.dma_semaphore, #tpu.memory_space<semaphore_mem>>) src(%arg7 : memref<13312xf32, #tpu.memory_space<vmem>>) dst(%dma_wait3A_40 : memref<13312xf32, #tpu.memory_space<hbm>>)
      tpu.yield
    }) : () -> ()
    "tpu.region"() ({
      %run_scoped3A = tpu.sem_alloc : memref<!tpu.dma_semaphore, #tpu.memory_space<semaphore_mem>>
      %dma_start3A_37 = tpu.memref_slice %arg4[%add3A_6] : memref<671744xf32, #tpu.memory_space<hbm>> -> memref<7680xf32, #tpu.memory_space<hbm>>
      %dma_start3A_38 = tpu.memref_slice %arg4[%add3A_6] : memref<671744xf32, #tpu.memory_space<hbm>> -> memref<7680xf32, #tpu.memory_space<hbm>>
      tpu.enqueue_dma source(%arg9 : memref<7680xf32, #tpu.memory_space<vmem>>) target(%dma_start3A_38 : memref<7680xf32, #tpu.memory_space<hbm>>) target_semaphore(%run_scoped3A : memref<!tpu.dma_semaphore, #tpu.memory_space<semaphore_mem>>)
      %dma_wait3A_39 = tpu.memref_slice %arg4[%add3A_6] : memref<671744xf32, #tpu.memory_space<hbm>> -> memref<7680xf32, #tpu.memory_space<hbm>>
      %dma_wait3A_40 = tpu.memref_slice %arg4[%add3A_6] : memref<671744xf32, #tpu.memory_space<hbm>> -> memref<7680xf32, #tpu.memory_space<hbm>>
      tpu.wait_dma2 semaphore(%run_scoped3A : memref<!tpu.dma_semaphore, #tpu.memory_space<semaphore_mem>>) src(%arg9 : memref<7680xf32, #tpu.memory_space<vmem>>) dst(%dma_wait3A_40 : memref<7680xf32, #tpu.memory_space<hbm>>)
      tpu.yield
    }) : () -> ()
    return
  }
}

</mosaic_0001>

<sc_bundles>
// kernel: kernel.3.cloned.1.call-start
scs
__scs_entry_jumppad:
0x0: {  	(pc) =	sbr.rel $0x88, $3  }
0x1: {  	(tag) =	ssettag $0x0;
	lr =	simm.s32 $0x1  }
0x2: {  	[smem:$0x3F9F] =	sst lr;
	_ =	strace $0xD0000000  }
0x3: {  	_ = 	snop  }
0x4: {  	_ = 	snop  }
0x5: {  	_ = 	snop  }
0x6: {  	_ = 	snop  }
0x7: {  	_ = 	snop  }
__scs_overlays_trampoline_lowered:
0x8: {  	[smem:$0x3FAE] =	sst s0  }
0x9: {  	[smem:$0x3FAF] =	sst s1  }
0xa: {  	[smem:$0x3FB0] =	sst s2  }
0xb: {  	[smem:$0x3FB1] =	sst s3  }
0xc: {  	[smem:$0x3FB2] =	sst s4  }
0xd: {  	[smem:$0x3FB3] =	sst s5  }
0xe: {  	[smem:$0x3FB4] =	sst s6  }
0xf: {  	[smem:$0x3FB5] =	sst s7  }
0x10: {  	[smem:$0x3FB6] =	sst s8  }
0x11: {  	[smem:$0x3FB7] =	sst s9;
	s0 =	simm.s32 @!p0 $0x0  }
0x12: {  	s1 =	sld [smem:$0x3F9D];
	s0 =	simm.s32 @p0 $0x1  }
0x13: {  	[smem:$0x3FB8] =	sst s0;
	s0 =	simm.s32 @!p1 $0x0  }
0x14: {  	s2 =	sld [smem:$0x3F9C];
	s0 =	simm.s32 @p1 $0x1  }
0x15: {  	[smem:$0x3FB9] =	sst s0;
	s0 =	simm.s32 @!p2 $0x0  }
0x16: {  	s3 =	sld [smem:$0x3FDB];
	s0 =	simm.s32 @p2 $0x1  }
0x17: {  	s4 =	simm.s32 $0x1BF5;
	[smem:$0x3FBB] =	sst s0  }
0x18: {  	s0 =	sld [smem:$0x3F9E];
	_ =	swait.ge [sflag:s4], $0x0  }
0x19: {  	s7 =	sld [smem:$0x3F9F]  }
0x1a: {  	s8 =	sadd.s32 $0xFFFFE003, lr  }
0x1b: {  	s9 =	sadd.s32 $0xFFFFFEF7, lr;
	s5 =	simm.s32 $0xFFFFFFFF;
	p2 =	slt.u32 s8, $0xFFFFF086  }
0x1c: {  	p1 =	slt.u32 s9, $0xF7A;
	s5 =	simm.s32 @!p2 $0x0  }
0x1d: {  	s5 =	simm.s32 @p1 $0x1;
	p0 =	seq.s32 s7, s2  }
0x1e: {  	s7 =	smul.u32 @!p0 $0xF7A, s2;
	p2 =	seq.s32 @!p0 s5, $0x0  }
0x1f: {  	s9 =	smul.u32 $0xF7A, s1;
	s8 =	simm.s32 @!p0 $0x1BF5;
	p2 =	por !p2, p0  }
0x20: {  	[sflag:s8] =	ssyncset.s32 @!p0 $0xFFFFF086;
	s6 =	sadd.s32 @!p0 s3, s7;
	s7 =	simm.s32 @!p0 $0x108  }
0x21: {  	s3 =	sadd.s32 s3, s9;
	s6 =	sadd.s32 @!p0 $0x88, s6;
	s7 =	simm.s32 @p2 $0x1082  }
0x22: {  	[simem:s7], [sflag:s8] =	dma.local @!p0 [hbm:s6], $0xF7A  }
0x23: {  	s9 =	sor.u32 $0xD0000000, s2;
	s6 =	simm.s32 $0x108;
	_ =	swait.ge @!p0 [sflag:s8], $0x0  }
0x24: {  	s3 =	sadd.s32 $0x88, s3;
	s6 =	simm.s32 @!p1 $0x1082;
	[sflag:s4] =	ssyncset.s32 $0xFFFFF086  }
0x25: {  	[simem:s6], [sflag:s4] =	dma.local [hbm:s3], $0xF7A  }
0x26: {  	[smem:$0x3F9F] =	sst s1;
	(tag) =	ssettag s2;
	_ =	strace s9  }
0x27: {  	s1 =	sld [smem:$0x3FAF]  }
0x28: {  	s2 =	sld [smem:$0x3FB0]  }
0x29: {  	s4 =	sld [smem:$0x3FB2]  }
0x2a: {  	p0 =	seq.s32 s5, $0x0;
	s5 =	sld [smem:$0x3FB3]  }
0x2b: {  	s6 =	sld [smem:$0x3FB4]  }
0x2c: {  	s7 =	sld [smem:$0x3FB5]  }
0x2d: {  	s3 =	simm.s32 $0x108;
	s8 =	sld [smem:$0x3FB6]  }
0x2e: {  	s3 =	simm.s32 @!p0 $0x1082;
	s9 =	sld [smem:$0x3FB7]  }
0x2f: {  	lr =	sadd.s32 s0, s3;
	s0 =	sld [smem:$0x3FAE]  }
0x30: {  	s3 =	sld [smem:$0x3FB1]  }
0x31: {  	[smem:$0x3FBA] =	sst s10  }
0x32: {  	s10 =	sld [smem:$0x3FB8];
	_ =	sdelay $0x3  }
0x33: {  	p0 =	seq.s32 s10, $0x1;
	s10 =	sld [smem:$0x3FBA];
	_ =	sdelay $0x3  }
0x34: {  	[smem:$0x3FBA] =	sst s10  }
0x35: {  	s10 =	sld [smem:$0x3FB9];
	_ =	sdelay $0x3  }
0x36: {  	p1 =	seq.s32 s10, $0x1;
	s10 =	sld [smem:$0x3FBA];
	_ =	sdelay $0x3  }
0x37: {  	[smem:$0x3FBA] =	sst s10  }
0x38: {  	s10 =	sld [smem:$0x3FBB]  }
0x39: {  	_ = 	snop;
	(pc) =	sbr.ind lr, $3  }
0x3a: {  	_ = 	snop  }
0x3b: {  	_ = 	snop  }
0x3c: {  	p2 =	seq.s32 s10, $0x1;
	s10 =	sld [smem:$0x3FBA]  }
0x3d: {  	_ =	shalt  }
0x3e: {  	_ =	shalt  }
0x3f: {  	_ =	shalt  }
0x40: {  	_ =	shalt  }
0x41: {  	_ =	shalt  }
0x42: {  	_ =	shalt  }
0x43: {  	_ =	shalt  }
0x44: {  	_ =	shalt  }
0x45: {  	_ =	shalt  }
0x46: {  	_ =	shalt  }
0x47: {  	_ =	shalt  }
0x48: {  	_ =	shalt  }
0x49: {  	_ =	shalt  }
0x4a: {  	_ =	shalt  }
0x4b: {  	_ =	shalt  }
0x4c: {  	_ =	shalt  }
0x4d: {  	_ =	shalt  }
0x4e: {  	_ =	shalt  }
0x4f: {  	_ =	shalt  }
0x50: {  	_ =	shalt  }
0x51: {  	_ =	shalt  }
0x52: {  	_ =	shalt  }
0x53: {  	_ =	shalt  }
0x54: {  	_ =	shalt  }
0x55: {  	_ =	shalt  }
0x56: {  	_ =	shalt  }
0x57: {  	_ =	shalt  }
0x58: {  	_ =	shalt  }
0x59: {  	_ =	shalt  }
0x5a: {  	_ =	shalt  }
0x5b: {  	_ =	shalt  }
0x5c: {  	_ =	shalt  }
0x5d: {  	_ =	shalt  }
0x5e: {  	_ =	shalt  }
0x5f: {  	_ =	shalt  }
0x60: {  	_ =	shalt  }
0x61: {  	_ =	shalt  }
0x62: {  	_ =	shalt  }
0x63: {  	_ =	shalt  }
0x64: {  	_ =	shalt  }
0x65: {  	_ =	shalt  }
0x66: {  	_ =	shalt  }
0x67: {  	_ =	shalt  }
0x68: {  	_ =	shalt  }
0x69: {  	_ =	shalt  }
0x6a: {  	_ =	shalt  }
0x6b: {  	_ =	shalt  }
0x6c: {  	_ =	shalt  }
0x6d: {  	_ =	shalt  }
0x6e: {  	_ =	shalt  }
0x6f: {  	_ =	shalt  }
0x70: {  	_ =	shalt  }
0x71: {  	_ =	shalt  }
0x72: {  	_ =	shalt  }
0x73: {  	_ =	shalt  }
0x74: {  	_ =	shalt  }
0x75: {  	_ =	shalt  }
0x76: {  	_ =	shalt  }
0x77: {  	_ =	shalt  }
0x78: {  	_ =	shalt  }
0x79: {  	_ =	shalt  }
0x7a: {  	_ =	shalt  }
0x7b: {  	_ =	shalt  }
0x7c: {  	_ =	shalt  }
0x7d: {  	_ =	shalt  }
0x7e: {  	_ =	shalt  }
0x7f: {  	_ =	shalt  }
0x80: {  	_ =	shalt  }
0x81: {  	_ =	shalt  }
0x82: {  	_ =	shalt  }
0x83: {  	_ =	shalt  }
0x84: {  	_ =	shalt  }
0x85: {  	_ =	shalt  }
0x86: {  	_ =	shalt  }
0x87: {  	_ =	shalt  }
.Lfunc_end0:
.L_simem_size_0:
called_computation_lowered:
.L_overlay_start_0:
0x88: {  	s2 =	sld [smem:$0x3FD9]  }
0x89: {  	s3 =	sld [smem:$0x3FFE];
	_ =	sdelay $0x1  }
0x8a: {  	s1 =	srdreg.scid  }
0x8b: {  	s0 =	sand.u32 $0x1, s1  }
0x8c: {  	s17 =	sshll.u32 s0, $0xA;
	s2 =	sadd.s32 s3, s2  }
0x8d: {  	s2 =	sadd.s32 s2, s17  }
0x8e: {  	[smem:$0x3FC6] =	sst s2  }
0x8f: {  	_ = 	snop  }
0x90: {  	s2 =	sld [smem:$0x3FD0];
	(tm) =	ssettm $0x1  }
0x91: {  	s18 =	sld [smem:$0x3FFB];
	_ =	sdelay $0x3  }
0x92: {  	_ =	strace s18  }
0x93: {  	s3 =	sld [smem:$0x3FFC];
	_ =	sdelay $0x3  }
0x94: {  	_ =	strace s3  }
0x95: {  	s3 =	sld [smem:$0x3FFD];
	_ =	sdelay $0x3  }
0x96: {  	_ =	strace s3  }
0x97: {  	_ =	strace $0x8FFFFFFF  }
0x98: {  	s19 =	sld [smem:$0x3FDB];
	_ =	sdelay $0x1  }
0x99: {  	s4 =	simm.s32 $_scs_section_size  }
0x9a: {  	s5 =	simm.s32 $_size__tile_overlayer_lowered;
	s6 =	simm.s32 $_tile_overlayer_lowered  }
0x9b: {  	s22 =	simm.s32 $0x1BFF;
	s21 =	sshll.u32 s6, $0x1;
	s3 =	sadd.s32 s4, s19  }
0x9c: {  	s7 =	simm.s32 $0x0;
	s20 =	sshll.u32 s5, $0x1;
	s5 =	sadd.s32 s21, s3  }
0x9d: {  	[timem:s7], [sflag:s22] =	dma.local [hbm:s5], s20  }
0x9e: {  	_ =	swait.ge [sflag:s22], s20  }
0x9f: {  	s4 =	ssub.s32 $0x0, s20;
	[sflag:s22] =	ssyncset.done $0x0  }
0xa0: {  	[sflag:s22] =	ssyncadd.s32 s4;
	_ =	sdelay $0x1  }
0xa1: {  	s23 =	simm.s32 $0x1B8B  }
0xa2: {  	_ =	swait.ge [sflag:s23], $0x1  }
0xa3: {  	[sflag:s23] =	ssyncset.done $0x0  }
0xa4: {  	s25 =	simm.s32 $0x1B8E;
	s24 =	sld [smem:$0x3FFE];
	[sflag:s23] =	ssyncadd.s32 $0xFFFFFFFF  }
0xa5: {  	s26 =	simm.s32 $execute0_lowered;
	[smem:$0x3FD2] =	sst s25  }
0xa6: {  	s5 =	sshll.u32 s26, $0x1;
	_ =	strace $0x80000046;
	[dreg:$0x1] =	wrdreg $0xFFFFFFFF  }
0xa7: {  	s28 =	simm.s32 $_size_execute0_lowered;
	s3 =	sadd.s32 s3, s5;
	[dreg:$0x0] =	wrdreg $0x0  }
0xa8: {  	s5 =	sshll.u32 s28, $0x1;
	[dreg:$0x2] =	wrdreg s3  }
0xa9: {  	[dreg:$0x3] =	wrdreg s5  }
0xaa: {  	[dreg:$0x4] =	wrdreg $0xC0  }
0xab: {  	_ =	task [dreg:s7], $0x5FFFF  }
0xac: {  	[dreg:$0x1] =	wrdreg $0xFFFFFFFF  }
0xad: {  	[dreg:$0x0] =	wrdreg $0x60  }
0xae: {  	[dreg:$0x2] =	wrdreg s2  }
0xaf: {  	[dreg:$0x3] =	wrdreg s24  }
0xb0: {  	[dreg:$0x4] =	wrdreg $0xE5000  }
0xb1: {  	[dreg:$0x5] =	wrdreg $0x9  }
0xb2: {  	_ =	task.clear_ibuf [dreg:s7], $0x6FFFF;
	_ =	strace $0x90000046  }
0xb3: {  	s29 =	simm.s32 $0x9;
	_ =	strace $0x80000048  }
0xb4: {  	_ =	swait.ge [sflag:s29], $0x1  }
0xb5: {  	[sflag:s29] =	ssyncadd.s32 $0xFFFFFFFF  }
0xb6: {  	_ =	strace $0x90000048  }
0xb7: {  	_ =	sfence  }
0xb8: {  	s30 =	sld [smem:$0x0];
	_ =	sdelay $0x2  }
0xb9: {  	s31 =	sshll.u32 s1, $0xD;
	s1 =	sshrl.u32 s1, $0x2  }
0xba: {  	s3 =	sand.u32 $0x4000, s31;
	s1 =	sadd.s32 s1, s30  }
0xbb: {  	s0 =	sor.u32 s3, s0;
	s1 =	sshll.u32 s1, $0x11  }
0xbc: {  	s0 =	sor.u32 s1, s0  }
0xbd: {  	s0 =	sadd.s32 $0x8F2B, s0  }
0xbe: {  	[sflag:s0] =	ssyncadd.remote.s32 $0x1  }
0xbf: {  	_ =	sfence.sel $0xFFFF  }
0xc0: {  	[dreg:$0x0] =	wrdreg $0xFFFFFFFF;
	(pc) =	sbr.abs _section_cstart, $3  }
0xc1: {  	[dreg:$0x1] =	wrdreg $0xFFFFFFFF  }
0xc2: {  	_ =	task.clear_ibuf [dreg:s7], $0x2FFFF;
	_ =	strace $0x9FFFFFFF  }
0xc3: {  	(tm) =	ssettm $0x7FFFFFFF  }
tec
execute0_lowered:
.L_overlay_start_1:
0x0: {  	(tag) =	ssettag $0x1  }
0x1: {  	s6 =	rddreg [dreg:$0x0]  }
0x2: {  	s5 =	rddreg [dreg:$0x1]  }
0x3: {  	s1 =	srdreg.scid;
	s0 =	stileid.u32  }
0x4: {  	s2 =	rddreg [dreg:$0x2];
	s3 =	simm.s32 $0x0;
	s16 =	simm.s32 $0xDE80  }
0x5: {  	s17 =	simm.s32 $0x2;
	s18 =	simm.s32 $0x1;
	s19 =	simm.s32 $0x4  }
0x6: {  	s20 =	simm.s32 $0x3400;
	s21 =	simm.s32 $0x6800;
	s22 =	simm.s32 $0x3  }
0x7: {  	s23 =	simm.s32 $0xBA00;
	s24 =	simm.s32 $0x0;
	s30 =	smul.u32 $0x1A00, s0  }
0x8: {  	s7 =	sand.u32 $0x1, s1;
	s1 =	rddreg [dreg:$0x3];
	s14 =	smul.u32 $0x6800, s0  }
0x9: {  	s4 =	sshll.u32 s0, $0x1;
	[smem:$0x7FF] =	sst s3;
	s15 =	smul.u32 $0x3400, s7  }
0xa: {  	s4 =	sor.u32 s7, s4;
	s8 =	ssub.s32 $0x2, s7;
	s7 =	smul.u32 $0x680, s0  }
0xb: {  	s12 =	sadd.s32 $0x3D800, s5;
	_ =	strace $0x80000047;
	s11 =	smul.u32 $0x1E00, s4  }
0xc: {  	s9 =	smul.u32 $0x3400, s4;
	s10 =	sshrl.u32 s8, $0x1;
	s4 =	sadd.s32 $0x600, s5  }
0xd: {  	s31 =	sshrl.u32 s30, $0x2;
	s13 =	ssub.s32 s8, s10;
	s29 =	sshrl.u32 s11, $0x3  }
0xe: {  	s8 =	sadd.s32 s31, s2;
	s9 =	sshrl.u32 s9, $0x3;
	s11 =	sadd.s32 $0xD000, s29  }
0xf: {  	s5 =	sadd.s32 s6, s9;
	s9 =	sadd.s32 s12, s9;
	s6 =	sadd.s32 s6, s11  }
0x10: {  	s10 =	sadd.s32 s12, s11;
	s11 =	smax.u32 s13, $0x1;
	s12 =	sadd.s32 s15, s14  }
0x11: {  	v0 =	vlaneseq.u32;
	s13 =	simm.s32 $0x9C00;
	s14 =	simm.s32 $0x680;
	s15 =	simm.s32 $0xD800  }
.LBB2_1:
0x12: {  	v1 =	vor.u32 s7, v0  }
0x13: {  	[tilespmem:s3], [sflag:$0x2] =	stream.linear.gather [hbm4b:s5+s3], $0x3400, $0x38;
	vm0 =	vlt.s32 v1, $0x658F;
	[tilespmem:$0xEB80] =	vst v63  }
0x14: {  	s25 =	simm.s32 $0x40;
	s28 =	simm.s32 $0x0;
	s26 =	smov.u32 s7;
	v1 =	vnsel vm0, $0x658F, v1  }
0x15: {  	[tilespmem:s13], [sflag:$0x3] =	stream.linear.gather [hbm4b:s6+s3], $0x1E00, $0x38;
	v1 =	vmul.u32 $0x4D, v1;
	[tilespmem:$0xEB80] =	vst v63  }
.LBB2_2:
0x16: {  	p0 =	sne.s32 s25, $0x19C0  }
0x17: {  	[tilespmem:s28+$0xD800] =	vst v1;
	s26 =	sadd.s32 $0x10, s26;
	s28 =	smov.u32 s25;
	s25 =	sadd.s32 $0x40, s25  }
.Ltmp0:
0x18: {  	v1 =	vor.u32 s26, v0;
	(pc) =	sbr.rel @p0 .LBB2_2-.Ltmp0, $4  }
0x19: {  	vm0 =	vlt.s32 v1, $0x658F  }
0x1a: {  	v1 =	vnsel vm0, $0x658F, v1  }
0x1b: {  	v1 =	vmul.u32 $0x4D, v1  }
0x1c: {  	s28 =	sshra.s32 s28, $0x2  }
0x1d: {  	[tilespmem:s28+$0xD800] =	vst v1  }
0x1e: {  	[tilespmem:s16], [sflag:$0x1] =	stream.indirect.gather [hbm4b:s4+s14], $0x1, s15, s14, $0xb8;
	[tilespmem:$0xEB80] =	vst v63  }
0x1f: {  	_ =	swait.ge [sflag:s17], $0x3400  }
0x20: {  	[sflag:s17] =	ssyncset.done $0x0  }
0x21: {  	s25 =	simm.s32 $0x0;
	[sflag:s17] =	ssyncadd.s32 $0xFFFFCC00  }
0x22: {  	v1 =	vld [tilespmem:s25+$0x30]  }
0x23: {  	v2 =	vld [tilespmem:s25+$0x0]  }
0x24: {  	s26 =	sshrl.u32 s12, $0xE;
	v3 =	vld [tilespmem:s25+$0x10]  }
0x25: {  	s28 =	simm.s32 $0x100;
	s29 =	smov.u32 s12;
	s26 =	smul.u32 $0x3E8, s26;
	v4 =	vld [tilespmem:s25+$0x20]  }
.LBB2_4:
0x26: {  	p0 =	sne.s32 s28, $0xCF00  }
.Ltmp1:
0x27: {  	s30 =	sshra.s32 s28, $0x2;
	s28 =	sadd.s32 $0x100, s28;
	v5 =	vadd.s32 s26, v1;
	(pc) =	sbr.rel @p0 .LBB2_4-.Ltmp1, $4  }
0x28: {  	v1 =	vld [tilespmem:s30+$0x30];
	v6 =	vadd.s32 s26, v2;
	[tilespmem:s25+$0x3430] =	vst v5  }
0x29: {  	s29 =	sadd.s32 $0x40, s29;
	v2 =	vld [tilespmem:s30+$0x0];
	[tilespmem:s25+$0x3400] =	vst v6;
	v5 =	vadd.s32 s26, v3  }
0x2a: {  	s31 =	sshrl.u32 s29, $0xE;
	v3 =	vld [tilespmem:s30+$0x10];
	[tilespmem:s25+$0x3410] =	vst v5;
	v5 =	vadd.s32 s26, v4  }
0x2b: {  	s26 =	smul.u32 $0x3E8, s31;
	v4 =	vld [tilespmem:s30+$0x20];
	[tilespmem:s25+$0x3420] =	vst v5;
	s25 =	smov.u32 s30  }
0x2c: {  	_ = 	snop  }
0x2d: {  	v1 =	vadd.s32 s26, v1  }
0x2e: {  	v2 =	vadd.s32 s26, v2;
	[tilespmem:s25+$0x3430] =	vst v1  }
0x2f: {  	[tilespmem:s25+$0x3400] =	vst v2;
	v1 =	vadd.s32 s26, v3  }
0x30: {  	[tilespmem:s25+$0x3410] =	vst v1;
	v1 =	vadd.s32 s26, v4  }
0x31: {  	[tilespmem:s25+$0x3420] =	vst v1  }
0x32: {  	_ =	swait.ge [sflag:s18], $0x680  }
0x33: {  	[sflag:s18] =	ssyncset.done $0x0  }
0x34: {  	[sflag:s18] =	ssyncadd.s32 $0xFFFFF980  }
0x35: {  	[spmem:s8] =	stream.linear.scatter [tilespmem:s16], [sflag:$0x4], $0x680, $0x38;
	[tilespmem:$0xEB80] =	vst v63  }
0x36: {  	_ =	swait.ge [sflag:s19], $0x680  }
0x37: {  	[sflag:s19] =	ssyncset.done $0x0  }
0x38: {  	[sflag:s19] =	ssyncadd.s32 $0xFFFFF980  }
0x39: {  	[bflag:$0x0] =	sbarrier.arrive $0xFFFF  }
0x3a: {  	[tilespmem:s21], [sflag:$0x1] =	stream.indirect.gather [spmem:s2], $0x1, s20, s20, $0xb8;
	[tilespmem:$0xEB80] =	vst v63  }
0x3b: {  	_ =	swait.ge [sflag:s22], $0x1E00  }
0x3c: {  	[sflag:s22] =	ssyncset.done $0x0  }
0x3d: {  	s25 =	simm.s32 $0x0;
	[sflag:s22] =	ssyncadd.s32 $0xFFFFE200  }
0x3e: {  	v2 =	vld [tilespmem:s25+$0x9C30]  }
0x3f: {  	v3 =	vld [tilespmem:s25+$0x9C00]  }
0x40: {  	v4 =	vld [tilespmem:s25+$0x9C10]  }
0x41: {  	v1 =	vld [tilespmem:s25+$0x9C20]  }
0x42: {  	s26 =	simm.s32 $0x100  }
.LBB2_6:
0x43: {  	s28 =	sshra.s32 s26, $0x2;
	p0 =	sne.s32 s26, $0x7700;
	s26 =	sadd.s32 $0x100, s26;
	v5 =	vcvt.s32.f32 v2  }
.Ltmp2:
0x44: {  	v2 =	vld [tilespmem:s28+$0x9C30];
	v6 =	vcvt.s32.f32 v3;
	(pc) =	sbr.rel @p0 .LBB2_6-.Ltmp2, $4  }
0x45: {  	v3 =	vld [tilespmem:s28+$0x9C00];
	v7 =	vcvt.s32.f32 v4;
	[tilespmem:s25+$0xBA30] =	vst v5  }
0x46: {  	v4 =	vld [tilespmem:s28+$0x9C10];
	[tilespmem:s25+$0xBA00] =	vst v6;
	v5 =	vcvt.s32.f32 v1  }
0x47: {  	v1 =	vld [tilespmem:s28+$0x9C20];
	[tilespmem:s25+$0xBA10] =	vst v7  }
0x48: {  	[tilespmem:s25+$0xBA20] =	vst v5;
	s25 =	smov.u32 s28  }
0x49: {  	v2 =	vcvt.s32.f32 v2  }
0x4a: {  	v3 =	vcvt.s32.f32 v3  }
0x4b: {  	v4 =	vcvt.s32.f32 v4;
	[tilespmem:s25+$0xBA30] =	vst v2  }
0x4c: {  	[tilespmem:s25+$0xBA00] =	vst v3;
	v1 =	vcvt.s32.f32 v1  }
0x4d: {  	[tilespmem:s25+$0xBA10] =	vst v4  }
0x4e: {  	[tilespmem:s25+$0xBA20] =	vst v1  }
0x4f: {  	_ =	swait.ge [sflag:s18], $0x3400  }
0x50: {  	[sflag:s18] =	ssyncset.done $0x0  }
0x51: {  	[sflag:s18] =	ssyncadd.s32 $0xFFFFCC00  }
0x52: {  	[hbm4b:s9+s3] =	stream.linear.scatter [tilespmem:s21], [sflag:$0x4], $0x3400, $0x38;
	[tilespmem:$0xEB80] =	vst v63  }
0x53: {  	s24 =	sadd.s32 $0x1, s24;
	_ =	swait.ge [sflag:s19], $0x3400  }
0x54: {  	p0 =	sne.s32 s24, s11;
	[sflag:s19] =	ssyncset.done $0x0  }
.Ltmp3:
0x55: {  	[sflag:s19] =	ssyncadd.s32 $0xFFFFCC00;
	(pc) =	sbr.rel @p0 .LBB2_1-.Ltmp3, $4  }
0x56: {  	[hbm4b:s10+s3] =	stream.linear.scatter [tilespmem:s23], [sflag:$0x4], $0x1E00, $0x38;
	[tilespmem:$0xEB80] =	vst v63  }
0x57: {  	_ =	swait.ge [sflag:s19], $0x1E00  }
0x58: {  	[sflag:s19] =	ssyncset.done $0x0  }
0x59: {  	[sflag:s19] =	ssyncadd.s32 $0xFFFFE200  }
0x5a: {  	_ =	sfence.sel $0x180000  }
0x5b: {  	[bflag:$0x0] =	sbarrier.arrive $0xFFFF  }
0x5c: {  	p0 =	sne.s32 s0, $0x0;
	_ =	strace $0x90000047  }
0x5d: {  	s0 =	sadd.s32 @!p0 $0x100000, s1;
	[bflag:$0x2] =	sbarrier.arrive $0xFFFF  }
0x5e: {  	[sflag:s0] =	ssyncadd.tile.s32 @!p0 $0x1;
	_ =	shalt  }
.Lfunc_end2:
_tile_overlayer_lowered:
.L_overlay_start_2:
0x5f: {  	(tag) =	ssettag $0x2  }
0x60: {  	s0 =	rddreg [dreg:$0x0];
	s2 =	stileid.u32  }
0x61: {  	s1 =	rddreg [dreg:$0x1];
	p0 =	sne.s32 s2, $0x0  }
0x62: {  	s3 =	rddreg [dreg:$0x2];
	[bflag:$0x3] =	sbarrier.arrive $0xFFFF;
	s2 =	simm.s32 @!p0 $0x1C04  }
0x63: {  	[timem:s3], [sflag:s2] =	dma.local @!p0 [hbm:s0], s1  }
0x64: {  	s0 =	simm.s32 @!p0 $0x4  }
0x65: {  	_ =	swait.ge @!p0 [sflag:s0], s1  }
0x66: {  	s1 =	ssub.s32 @!p0 $0x0, s1;
	[sflag:s0] =	ssyncset.done @!p0 $0x0  }
0x67: {  	[sflag:s0] =	ssyncadd.s32 @!p0 s1  }
0x68: {  	[bflag:$0x3] =	sbarrier.arrive $0xFFFF  }
0x69: {  	_ =	shalt  }

</sc_bundles>
